<compile_context>
chip_gen: v7x
topology: tpu7x:2x2x1
jax: 0.10.2.dev20260603
libtpu: 0.0.44.dev20260713+nightly
codegen_flags: <defaults>
</compile_context>

<pallas_src>
import jax
import jax.numpy as jnp
import numpy as np
from jax import lax
from jax.experimental import pallas as pl
from jax.experimental.pallas import tpu as pltpu
from jax.experimental.pallas import tpu_sc as plsc

B = 4096
M = 20
J = 21
L = 64
K_CONV = 25
H_OUT = L - K_CONV + 1
O_CONV = 5
N_FEAT = O_CONV * H_OUT
NUM_USERS = 117362
ROWS = NUM_USERS + 1
JL = J * L

NC = 2
NS = 16
NW = NC * NS
CHUNK = B // NW

BB = 512
GRID = B // BB

def _wid():
    return lax.axis_index("s") * NC + lax.axis_index("c")


def _sc_gather_body(uid_hbm, comb_hbm, out_hbm, idx_v, rows_v, sem):
    base = _wid() * CHUNK
    pltpu.sync_copy(uid_hbm.at[pl.ds(base, CHUNK)], idx_v)
    pltpu.async_copy(comb_hbm.at[idx_v], rows_v, sem).wait()
    pltpu.sync_copy(rows_v, out_hbm.at[pl.ds(base, CHUNK)])


import functools


@functools.cache
def _sc_kernels():
    mesh = plsc.VectorSubcoreMesh(
        core_axis_name="c", subcore_axis_name="s",
        num_cores=NC, num_subcores=NS)
    params = pltpu.CompilerParams(use_tc_tiling_on_sc=False)
    gather = pl.kernel(
        _sc_gather_body,
        out_type=jax.ShapeDtypeStruct((B, 8), jnp.float32),
        mesh=mesh,
        compiler_params=params,
        scratch_types=[
            pltpu.VMEM((CHUNK,), jnp.int32),
            pltpu.VMEM((CHUNK, 8), jnp.float32),
            pltpu.SemaphoreType.DMA,
        ],
    )
    return gather


def _patch_body(uid_ref, lo_ref, feat_ref, tbl_ref, out_ref, psem):
    def body(k, carry):
        u = uid_ref[k]
        src = lo_ref[k]
        pltpu.make_async_copy(feat_ref.at[pl.ds(src, 1), :],
                              out_ref.at[pl.ds(u, 1), :], psem).start()
        return carry

    lax.fori_loop(0, B, body, 0, unroll=16)

    pltpu.make_async_copy(feat_ref, out_ref.at[pl.ds(0, B), :], psem).wait()


_tc_scatter = pl.pallas_call(
    _patch_body,
    in_specs=[
        pl.BlockSpec(memory_space=pltpu.SMEM),
        pl.BlockSpec(memory_space=pltpu.SMEM),
        pl.BlockSpec(memory_space=pltpu.VMEM),
        pl.BlockSpec(memory_space=pl.ANY),
    ],
    out_specs=pl.BlockSpec(memory_space=pl.ANY),
    out_shape=jax.ShapeDtypeStruct((ROWS, N_FEAT), jnp.float32),
    input_output_aliases={3: 0},
    scratch_shapes=[pltpu.SemaphoreType.DMA],
)


def _tc_body(uid_ref, macro_ref, micro_ref, gath_ref, w2_ref, e_ref, cb_ref,
             ub_ref, mu_ref, feat_ref, out_ref, lo_ref, acc_ref):
    g = pl.program_id(0)

    s = jnp.sum(gath_ref[:, 0:4], axis=1)
    msum = jnp.sum(micro_ref[...], axis=1)
    c = s[:, None] * msum * (1.0 / M)

    cexp = jnp.dot(c, e_ref[...], preferred_element_type=jnp.float32)
    a = macro_ref[...] * cexp
    pre = jnp.dot(a, w2_ref[...], preferred_element_type=jnp.float32)
    feat = jnp.maximum(pre + cb_ref[0, :][None, :], 0.0)
    feat_ref[...] = feat

    uid_all = uid_ref[0, :]
    uid_blk = uid_ref[0, pl.ds(g * BB, BB)]
    eq = uid_blk[:, None] == uid_all[None, :]
    jidx = lax.broadcasted_iota(jnp.int32, (BB, B), 1)
    lo_ref[0, pl.ds(g * BB, BB)] = jnp.max(jnp.where(eq, jidx, -1), axis=1)

    psum = jnp.sum(feat)
    total = jnp.where(g == 0, psum, acc_ref[0] + psum)
    acc_ref[0] = total

    @pl.when(g == GRID - 1)
    def _():
        out_ref[0, :] = total + ub_ref[0, :] + mu_ref[0, 0]


_tc_compute = pl.pallas_call(
    _tc_body,
    grid=(GRID,),
    in_specs=[
        pl.BlockSpec((1, B), lambda g: (0, 0)),
        pl.BlockSpec((BB, JL), lambda g: (g, 0)),
        pl.BlockSpec((BB, M, J), lambda g: (g, 0, 0)),
        pl.BlockSpec((BB, 8), lambda g: (g, 0)),
        pl.BlockSpec((JL, N_FEAT), lambda g: (0, 0)),
        pl.BlockSpec((J, JL), lambda g: (0, 0)),
        pl.BlockSpec((1, N_FEAT), lambda g: (0, 0)),
        pl.BlockSpec((1, B), lambda g: (0, 0)),
        pl.BlockSpec((1, 1), lambda g: (0, 0)),
    ],
    out_specs=[
        pl.BlockSpec((BB, N_FEAT), lambda g: (g, 0)),
        pl.BlockSpec((1, B), lambda g: (0, 0)),
        pl.BlockSpec((1, B), lambda g: (0, 0)),
    ],
    out_shape=[
        jax.ShapeDtypeStruct((B, N_FEAT), jnp.float32),
        jax.ShapeDtypeStruct((1, B), jnp.float32),
        jax.ShapeDtypeStruct((1, B), jnp.int32),
    ],
    scratch_shapes=[pltpu.SMEM((1,), jnp.float32)],
)


def _build_w2(conv_w):
    k = np.arange(L)
    h = np.arange(H_OUT)
    d = k[:, None] - h[None, :]
    valid = jnp.asarray((d >= 0) & (d < K_CONV))
    dc = np.clip(d, 0, K_CONV - 1)
    w = conv_w[:, :, dc]
    w = jnp.where(valid[None, None], w, 0.0)
    return w.transpose(1, 2, 0, 3).reshape(JL, N_FEAT)


def kernel(macro, micro, prop_pref_table, conv_w, conv_b, user_bias_table,
           user_embedding_table, mu_bias, user_id):
    sc_gather = _sc_kernels()
    uid = user_id.astype(jnp.int32)
    comb = jnp.concatenate(
        [prop_pref_table, user_bias_table,
         jnp.zeros((ROWS, 3), jnp.float32)], axis=1)
    gath = sc_gather(uid, comb)

    macro2d = macro.reshape(B, JL)
    w2 = _build_w2(conv_w)
    cb = jnp.repeat(conv_b, H_OUT)[None, :]
    e = jnp.asarray(
        np.equal.outer(np.arange(J), np.arange(JL) // L).astype(np.float32))
    ub2d = gath[:, 4][None, :]
    mu2d = mu_bias[None, :]

    uid2d = uid[None, :]
    feat, outv, lo = _tc_compute(uid2d, macro2d, micro, gath, w2, e, cb,
                                 ub2d, mu2d)

    updated = _tc_scatter(uid, lo.reshape(B), feat, user_embedding_table)
    return outv.reshape(B), updated

# --- scband reference (transcript-rebuilt; emitter-appended) ---
"""Pipeline reference for scband-mb4-ctr-88828513616148 (READ-ONLY COPY).

The authoritative reference and input builder live on the scoring server;
editing this copy changes nothing except your own understanding.
"""

import jax, jax.numpy as jnp
import numpy as np

B = 4096
M = 20
J = 21
L = 64
NUM_USERS = 117362
NUM_MICRO = 200
NUM_PROP = 4


def setup_inputs(seed: int = 0) -> dict:
    key = jax.random.key(seed)
    ks = jax.random.split(key, 8)
    user_id = jax.random.randint(ks[0], (B,), 0, NUM_USERS)
    macro = jax.random.normal(ks[1], (B, J, L), dtype=jnp.float32)
    micro = jax.random.normal(ks[2], (B, M, J), dtype=jnp.float32)
    # ScaledEmbedding init: normal scaled by 1/embedding_dim
    prop_pref_table = jax.random.normal(ks[3], (NUM_USERS + 1, NUM_PROP), dtype=jnp.float32) * (1.0 / NUM_PROP)
    conv_w = jax.random.normal(ks[4], (5, J, 25), dtype=jnp.float32) * (1.0 / np.sqrt(J * 25))
    conv_b = jnp.zeros((5,), dtype=jnp.float32)
    user_bias_table = jax.random.normal(ks[5], (NUM_USERS + 1, 1), dtype=jnp.float32) * 0.01
    user_embedding_table = jax.random.normal(ks[6], (NUM_USERS + 1, NUM_MICRO), dtype=jnp.float32) * (1.0 / NUM_MICRO)
    mu_bias = jnp.ones((1,), dtype=jnp.float32)
    return {
        "macro": macro,
        "micro": micro,
        "prop_pref_table": prop_pref_table,
        "conv_w": conv_w,
        "conv_b": conv_b,
        "user_bias_table": user_bias_table,
        "user_embedding_table": user_embedding_table,
        "mu_bias": mu_bias,
        "user_id": user_id,
    }


def _attention(macro, micro, prop_pref, conv_w, conv_b):
    # prop_scores[i,m,j] = micro[i,m,j] * sum_k prop_pref[i,k]
    prop_scores = jnp.einsum('imj,ik->imj', micro, prop_pref)
    # einsum('ijk,imj->imjk') followed by mean over m == contraction over m / M (identical math)
    macro_w = jnp.einsum('ijk,imj->ijk', macro, prop_scores) / micro.shape[1]
    out = jax.lax.conv_general_dilated(
        macro_w, conv_w, window_strides=(1,), padding='VALID',
        dimension_numbers=('NCH', 'OIH', 'NCH'))
    out = out + conv_b[None, :, None]
    out = jax.nn.relu(out)
    return out.reshape(out.shape[0], -1)


def reference(macro, micro, prop_pref_table, conv_w, conv_b, user_bias_table, user_embedding_table, mu_bias, user_id):
    prop_pref = prop_pref_table[user_id]
    user_feat = _attention(macro, micro, prop_pref, conv_w, conv_b)
    user_feat = user_feat.reshape(user_feat.shape[0], -1)
    user_feat = jax.nn.relu(user_feat)
    # side-effecting scatter-overwrite in torch: user_embedding.weight.data[user_id[i]].copy_(user_feat[i])
    updated_table = user_embedding_table.at[user_id].set(user_feat)
    out = jnp.einsum('ij->', user_feat) + user_bias_table[user_id][:, 0] + mu_bias
    return (out, updated_table)

if __name__ == "__main__":
    import jax
    _d = setup_inputs()
    print(jax.jit(kernel)(*tuple(_d.values())))

</pallas_src>

<mosaic_0001>
#map = affine_map<(d0, d1) -> (0)>
#map1 = affine_map<(d0, d1) -> (0, 0)>
module attributes {stable_mosaic.version = 14 : i64} {
  func.func @_sc_gather_body(%arg0: i32, %arg1: i32, %arg2: memref<4096xi32, #tpu.memory_space<hbm>>, %arg3: memref<117363x8xf32, #tpu.memory_space<hbm>>, %arg4: memref<4096x8xf32, #tpu.memory_space<hbm>>, %arg5: memref<128xi32, #tpu.memory_space<vmem>>, %arg6: memref<128x8xf32, #tpu.memory_space<vmem>>, %arg7: memref<!tpu.dma_semaphore, #tpu.memory_space<semaphore_mem>>) attributes {dimension_semantics = [#tpu.dimension_semantics<core_parallel>, #tpu.dimension_semantics<subcore_parallel>], iteration_bounds = array<i64: 2, 16>, scalar_prefetch = 0 : i64, scratch_operands = 3 : i64, tpu.core_type = #tpu.core_type<sc_vector_subcore>, window_params = [{transform_indices = #map}, {transform_indices = #map1}, {transform_indices = #map1}]} {
    %mul3A = arith.constant 2 : i32
    %mul3A_0 = arith.muli %arg1, %mul3A : i32
    %add3A = arith.addi %mul3A_0, %arg0 : i32
    %mul3A_1 = arith.constant 128 : i32
    %mul3A_2 = arith.muli %add3A, %mul3A_1 : i32
    "tpu.region"() ({
      %run_scoped3A = tpu.sem_alloc : memref<!tpu.dma_semaphore, #tpu.memory_space<semaphore_mem>>
      %dma_start3A_7 = tpu.memref_slice %arg2[%mul3A_2] : memref<4096xi32, #tpu.memory_space<hbm>> -> memref<128xi32, #tpu.memory_space<hbm>>
      %dma_start3A_8 = tpu.memref_slice %arg2[%mul3A_2] : memref<4096xi32, #tpu.memory_space<hbm>> -> memref<128xi32, #tpu.memory_space<hbm>>
      tpu.enqueue_dma source(%dma_start3A_8 : memref<128xi32, #tpu.memory_space<hbm>>) target(%arg5 : memref<128xi32, #tpu.memory_space<vmem>>) target_semaphore(%run_scoped3A : memref<!tpu.dma_semaphore, #tpu.memory_space<semaphore_mem>>)
      %dma_wait3A_9 = tpu.memref_slice %arg2[%mul3A_2] : memref<4096xi32, #tpu.memory_space<hbm>> -> memref<128xi32, #tpu.memory_space<hbm>>
      %dma_wait3A_10 = tpu.memref_slice %arg2[%mul3A_2] : memref<4096xi32, #tpu.memory_space<hbm>> -> memref<128xi32, #tpu.memory_space<hbm>>
      tpu.wait_dma2 semaphore(%run_scoped3A : memref<!tpu.dma_semaphore, #tpu.memory_space<semaphore_mem>>) src(%dma_wait3A_10 : memref<128xi32, #tpu.memory_space<hbm>>) dst(%arg5 : memref<128xi32, #tpu.memory_space<vmem>>)
      tpu.yield
    }) : () -> ()
    %dma_start3A = arith.constant 0 : i32
    %dma_start3A_3 = arith.constant 0 : i32
    %dma_start3A_4 = tpu.memref_slice %arg3[%dma_start3A, %dma_start3A_3] : memref<117363x8xf32, #tpu.memory_space<hbm>> -> memref<117363x8xf32, #tpu.memory_space<hbm>>
    tpu.enqueue_indirect_dma source(%dma_start3A_4 : memref<117363x8xf32, #tpu.memory_space<hbm>>) target(%arg6 : memref<128x8xf32, #tpu.memory_space<vmem>>) offsets(%arg5 : memref<128xi32, #tpu.memory_space<vmem>>) semaphore(%arg7 : memref<!tpu.dma_semaphore, #tpu.memory_space<semaphore_mem>>)
    %dma_wait3A = arith.constant 0 : i32
    %dma_wait3A_5 = arith.constant 0 : i32
    %dma_wait3A_6 = tpu.memref_slice %arg3[%dma_wait3A, %dma_wait3A_5] : memref<117363x8xf32, #tpu.memory_space<hbm>> -> memref<117363x8xf32, #tpu.memory_space<hbm>>
    tpu.wait_indirect_dma semaphore(%arg7 : memref<!tpu.dma_semaphore, #tpu.memory_space<semaphore_mem>>) src(%dma_wait3A_6 : memref<117363x8xf32, #tpu.memory_space<hbm>>) dst(%arg6 : memref<128x8xf32, #tpu.memory_space<vmem>>)
    "tpu.region"() ({
      %run_scoped3A = tpu.sem_alloc : memref<!tpu.dma_semaphore, #tpu.memory_space<semaphore_mem>>
      %dma_start3A_7 = arith.constant 0 : i32
      %dma_start3A_8 = tpu.memref_slice %arg4[%mul3A_2, %dma_start3A_7] : memref<4096x8xf32, #tpu.memory_space<hbm>> -> memref<128x8xf32, #tpu.memory_space<hbm>>
      %dma_start3A_9 = arith.constant 0 : i32
      %dma_start3A_10 = tpu.memref_slice %arg4[%mul3A_2, %dma_start3A_9] : memref<4096x8xf32, #tpu.memory_space<hbm>> -> memref<128x8xf32, #tpu.memory_space<hbm>>
      tpu.enqueue_dma source(%arg6 : memref<128x8xf32, #tpu.memory_space<vmem>>) target(%dma_start3A_10 : memref<128x8xf32, #tpu.memory_space<hbm>>) target_semaphore(%run_scoped3A : memref<!tpu.dma_semaphore, #tpu.memory_space<semaphore_mem>>)
      %dma_wait3A_11 = arith.constant 0 : i32
      %dma_wait3A_12 = tpu.memref_slice %arg4[%mul3A_2, %dma_wait3A_11] : memref<4096x8xf32, #tpu.memory_space<hbm>> -> memref<128x8xf32, #tpu.memory_space<hbm>>
      %dma_wait3A_13 = arith.constant 0 : i32
      %dma_wait3A_14 = tpu.memref_slice %arg4[%mul3A_2, %dma_wait3A_13] : memref<4096x8xf32, #tpu.memory_space<hbm>> -> memref<128x8xf32, #tpu.memory_space<hbm>>
      tpu.wait_dma2 semaphore(%run_scoped3A : memref<!tpu.dma_semaphore, #tpu.memory_space<semaphore_mem>>) src(%arg6 : memref<128x8xf32, #tpu.memory_space<vmem>>) dst(%dma_wait3A_14 : memref<128x8xf32, #tpu.memory_space<hbm>>)
      tpu.yield
    }) : () -> ()
    return
  }
}

module attributes {stable_mosaic.version = 14 : i64} {
  func.func @_tc_body(%arg0: i32, %arg1: memref<1x4096xi32, #tpu.memory_space<vmem>>, %arg2: memref<512x1344xf32, #tpu.memory_space<vmem>>, %arg3: memref<512x20x21xf32, #tpu.memory_space<vmem>>, %arg4: memref<512x8xf32, #tpu.memory_space<vmem>>, %arg5: memref<1344x200xf32, #tpu.memory_space<vmem>>, %arg6: memref<21x1344xf32, #tpu.memory_space<vmem>>, %arg7: memref<1x200xf32, #tpu.memory_space<vmem>>, %arg8: memref<1x4096xf32, #tpu.memory_space<vmem>>, %arg9: memref<1x1xf32, #tpu.memory_space<vmem>>, %arg10: memref<512x200xf32, #tpu.memory_space<vmem>>, %arg11: memref<1x4096xf32, #tpu.memory_space<vmem>>, %arg12: memref<1x4096xi32, #tpu.memory_space<vmem>>, %arg13: memref<1xf32, #tpu.memory_space<smem>>) attributes {dimension_semantics = [#tpu.dimension_semantics<arbitrary>], iteration_bounds = array<i64: 8>, scalar_prefetch = 0 : i64, scratch_operands = 1 : i64, tpu.core_type = #tpu.core_type<tc>, window_params = [{pipeline_mode = #tpu.pipeline_mode<synchronous>, transform_indices = @transform_0, window_bounds = array<i64: 1, 4096>}, {transform_indices = @transform_1, window_bounds = array<i64: 512, 1344>}, {transform_indices = @transform_2, window_bounds = array<i64: 512, 20, 21>}, {transform_indices = @transform_3, window_bounds = array<i64: 512, 8>}, {pipeline_mode = #tpu.pipeline_mode<synchronous>, transform_indices = @transform_4, window_bounds = array<i64: 1344, 200>}, {pipeline_mode = #tpu.pipeline_mode<synchronous>, transform_indices = @transform_5, window_bounds = array<i64: 21, 1344>}, {pipeline_mode = #tpu.pipeline_mode<synchronous>, transform_indices = @transform_6, window_bounds = array<i64: 1, 200>}, {pipeline_mode = #tpu.pipeline_mode<synchronous>, transform_indices = @transform_7, window_bounds = array<i64: 1, 4096>}, {pipeline_mode = #tpu.pipeline_mode<synchronous>, transform_indices = @transform_8, window_bounds = array<i64: 1, 1>}, {transform_indices = @transform_9, window_bounds = array<i64: 512, 200>}, {pipeline_mode = #tpu.pipeline_mode<synchronous>, transform_indices = @transform_10, window_bounds = array<i64: 1, 4096>}, {pipeline_mode = #tpu.pipeline_mode<synchronous>, transform_indices = @transform_11, window_bounds = array<i64: 1, 4096>}]} {
    %get3A = arith.constant 0 : index
    %get3A_0 = arith.constant 0 : index
    %get3A_1 = vector.load %arg4[%get3A, %get3A_0] : memref<512x8xf32, #tpu.memory_space<vmem>>, vector<512x4xf32>
    %reduce_sum3A = arith.constant dense<0.000000e+00> : vector<512xf32>
    %reduce_sum3A_2 = vector.multi_reduction <add>, %get3A_1, %reduce_sum3A [1] : vector<512x4xf32> to vector<512xf32>
    %get3A_3 = arith.constant 0 : index
    %get3A_4 = arith.constant 0 : index
    %get3A_5 = arith.constant 0 : index
    %get3A_6 = vector.load %arg3[%get3A_3, %get3A_4, %get3A_5] : memref<512x20x21xf32, #tpu.memory_space<vmem>>, vector<512x20x21xf32>
    %reduce_sum3A_7 = arith.constant dense<0.000000e+00> : vector<512x21xf32>
    %reduce_sum3A_8 = vector.multi_reduction <add>, %get3A_6, %reduce_sum3A_7 [1] : vector<512x20x21xf32> to vector<512x21xf32>
    %broadcast_in_dim3A = vector.shape_cast %reduce_sum3A_2 : vector<512xf32> to vector<512x1xf32>
    %mul3A = vector.broadcast %broadcast_in_dim3A : vector<512x1xf32> to vector<512x21xf32>
    %mul3A_9 = arith.mulf %mul3A, %reduce_sum3A_8 : vector<512x21xf32>
    %mul3A_10 = arith.constant 5.000000e-02 : f32
    %mul3A_11 = vector.broadcast %mul3A_10 : f32 to vector<512x21xf32>
    %mul3A_12 = arith.mulf %mul3A_9, %mul3A_11 : vector<512x21xf32>
    %get3A_13 = arith.constant 0 : index
    %get3A_14 = arith.constant 0 : index
    %get3A_15 = vector.load %arg6[%get3A_13, %get3A_14] : memref<21x1344xf32, #tpu.memory_space<vmem>>, vector<21x1344xf32>
    %dot_general3A = arith.constant dense<0.000000e+00> : vector<512x1344xf32>
    %dot_general3A_16 = tpu.matmul %mul3A_12, %get3A_15, %dot_general3A {dimension_numbers = #tpu.dot_dimension_numbers<[1], [0], [0], [1], [0, 0, 1, 1], [], []>, transpose_lhs_hint = false} : vector<512x21xf32>, vector<21x1344xf32>, vector<512x1344xf32> -> vector<512x1344xf32>
    %get3A_17 = arith.constant 0 : index
    %get3A_18 = arith.constant 0 : index
    %get3A_19 = vector.load %arg2[%get3A_17, %get3A_18] : memref<512x1344xf32, #tpu.memory_space<vmem>>, vector<512x1344xf32>
    %mul3A_20 = arith.mulf %get3A_19, %dot_general3A_16 : vector<512x1344xf32>
    %get3A_21 = arith.constant 0 : index
    %get3A_22 = arith.constant 0 : index
    %get3A_23 = vector.load %arg5[%get3A_21, %get3A_22] : memref<1344x200xf32, #tpu.memory_space<vmem>>, vector<1344x200xf32>
    %dot_general3A_24 = arith.constant dense<0.000000e+00> : vector<512x200xf32>
    %dot_general3A_25 = tpu.matmul %mul3A_20, %get3A_23, %dot_general3A_24 {dimension_numbers = #tpu.dot_dimension_numbers<[1], [0], [0], [1], [0, 0, 1, 1], [], []>, transpose_lhs_hint = false} : vector<512x1344xf32>, vector<1344x200xf32>, vector<512x200xf32> -> vector<512x200xf32>
    %get3A_26 = arith.constant 0 : index
    %get3A_27 = arith.constant 0 : index
    %get3A_28 = vector.load %arg7[%get3A_26, %get3A_27] : memref<1x200xf32, #tpu.memory_space<vmem>>, vector<1x200xf32>
    %get3A_29 = vector.shape_cast %get3A_28 : vector<1x200xf32> to vector<200xf32>
    %broadcast_in_dim3A_30 = vector.shape_cast %get3A_29 : vector<200xf32> to vector<1x200xf32>
    %add3A = vector.broadcast %broadcast_in_dim3A_30 : vector<1x200xf32> to vector<512x200xf32>
    %add3A_31 = arith.addf %dot_general3A_25, %add3A : vector<512x200xf32>
    %max3A = arith.constant 0.000000e+00 : f32
    %max3A_32 = vector.broadcast %max3A : f32 to vector<512x200xf32>
    %max3A_33 = arith.maximumf %add3A_31, %max3A_32 : vector<512x200xf32>
    %swap3A = arith.constant 0 : index
    %swap3A_34 = arith.constant 0 : index
    %swap3A_35 = vector.load %arg10[%swap3A, %swap3A_34] : memref<512x200xf32, #tpu.memory_space<vmem>>, vector<512x200xf32>
    tpu.vector_store %arg10[%swap3A, %swap3A_34], %max3A_33 {strides = array<i32>} : memref<512x200xf32, #tpu.memory_space<vmem>>, vector<512x200xf32>,
    %get3A_36 = arith.constant 0 : index
    %get3A_37 = arith.constant 0 : index
    %get3A_38 = vector.load %arg1[%get3A_36, %get3A_37] : memref<1x4096xi32, #tpu.memory_space<vmem>>, vector<1x4096xi32>
    %get3A_39 = vector.shape_cast %get3A_38 : vector<1x4096xi32> to vector<4096xi32>
    %mul3A_40 = arith.constant 512 : i32
    %mul3A_41 = arith.muli %arg0, %mul3A_40 : i32
    %get3A_42 = arith.constant 0 : index
    %get3A_43 = arith.index_cast %mul3A_41 : i32 to index
    %get3A_44 = vector.load %arg1[%get3A_42, %get3A_43] : memref<1x4096xi32, #tpu.memory_space<vmem>>, vector<1x512xi32>
    %get3A_45 = vector.shape_cast %get3A_44 : vector<1x512xi32> to vector<512xi32>
    %broadcast_in_dim3A_46 = vector.shape_cast %get3A_45 : vector<512xi32> to vector<512x1xi32>
    %broadcast_in_dim3A_47 = vector.shape_cast %get3A_39 : vector<4096xi32> to vector<1x4096xi32>
    %eq3A = vector.broadcast %broadcast_in_dim3A_46 : vector<512x1xi32> to vector<512x4096xi32>
    %eq3A_48 = vector.broadcast %broadcast_in_dim3A_47 : vector<1x4096xi32> to vector<512x4096xi32>
    %eq3A_49 = arith.cmpi eq, %eq3A, %eq3A_48 : vector<512x4096xi32>
    %iota3A = tpu.iota {dimensions = array<i32: 1>} : vector<512x4096xi32>
    %jit3A = arith.constant -1 : i32
    %broadcast_in_dim3A_50 = vector.broadcast %jit3A : i32 to vector<512x4096xi32>
    %select_n3A = arith.select %eq3A_49, %iota3A, %broadcast_in_dim3A_50 : vector<512x4096xi1>, vector<512x4096xi32>
    %reduce_max3A = arith.constant dense<-2147483648> : vector<512xi32>
    %reduce_max3A_51 = vector.multi_reduction <maxsi>, %select_n3A, %reduce_max3A [1] : vector<512x4096xi32> to vector<512xi32>
    %mul3A_52 = arith.constant 512 : i32
    %mul3A_53 = arith.muli %arg0, %mul3A_52 : i32
    %swap3A_54 = arith.constant 0 : index
    %swap3A_55 = arith.index_cast %mul3A_53 : i32 to index
    %swap3A_56 = vector.load %arg12[%swap3A_54, %swap3A_55] : memref<1x4096xi32, #tpu.memory_space<vmem>>, vector<1x512xi32>
    %swap3A_57 = vector.shape_cast %swap3A_56 : vector<1x512xi32> to vector<512xi32>
    %swap3A_58 = vector.shape_cast %reduce_max3A_51 : vector<512xi32> to vector<1x512xi32>
    tpu.vector_store %arg12[%swap3A_54, %swap3A_55], %swap3A_58 {strides = array<i32>} : memref<1x4096xi32, #tpu.memory_space<vmem>>, vector<1x512xi32>,
    %reduce_sum3A_59 = vector.shape_cast %max3A_33 : vector<512x200xf32> to vector<1x512x200xf32>
    %reduce_sum3A_60 = arith.constant dense<0.000000e+00> : vector<1xf32>
    %reduce_sum3A_61 = vector.multi_reduction <add>, %reduce_sum3A_59, %reduce_sum3A_60 [1, 2] : vector<1x512x200xf32> to vector<1xf32>
    %reduce_sum3A_62 = vector.shape_cast %reduce_sum3A_61 : vector<1xf32> to vector<1x1x1xf32>
    %reduce_sum3A_63 = vector.extract %reduce_sum3A_62[0, 0, 0] : f32 from vector<1x1x1xf32>
    %eq3A_64 = arith.constant 0 : i32
    %eq3A_65 = arith.cmpi eq, %arg0, %eq3A_64 : i32
    %get3A_66 = arith.constant 0 : index
    %get3A_67 = memref.load %arg13[%get3A_66] : memref<1xf32, #tpu.memory_space<smem>>
    %add3A_68 = arith.addf %get3A_67, %reduce_sum3A_63 : f32
    %select_n3A_69 = arith.select %eq3A_65, %reduce_sum3A_63, %add3A_68 : f32
    %swap3A_70 = arith.constant 0 : index
    %swap3A_71 = memref.load %arg13[%swap3A_70] : memref<1xf32, #tpu.memory_space<smem>>
    memref.store %select_n3A_69, %arg13[%swap3A_70] : memref<1xf32, #tpu.memory_space<smem>>
    %eq3A_72 = arith.constant 7 : i32
    %eq3A_73 = arith.cmpi eq, %arg0, %eq3A_72 : i32
    %convert_element_type3A = arith.extui %eq3A_73 : i1 to i32
    %cond3A = arith.constant 0 : i32
    %cond3A_74 = arith.cmpi ne, %convert_element_type3A, %cond3A : i32
    scf.if %cond3A_74 {
      %get3A_75 = arith.constant 0 : index
      %get3A_76 = arith.constant 0 : index
      %get3A_77 = vector.load %arg8[%get3A_75, %get3A_76] : memref<1x4096xf32, #tpu.memory_space<vmem>>, vector<1x4096xf32>
      %get3A_78 = vector.shape_cast %get3A_77 : vector<1x4096xf32> to vector<4096xf32>
      %add3A_79 = vector.broadcast %select_n3A_69 : f32 to vector<4096xf32>
      %add3A_80 = arith.addf %add3A_79, %get3A_78 : vector<4096xf32>
      %get3A_81 = arith.constant 0 : index
      %get3A_82 = arith.constant 0 : index
      %get3A_83 = vector.load %arg9[%get3A_81, %get3A_82] : memref<1x1xf32, #tpu.memory_space<vmem>>, vector<1x1xf32>
      %get3A_84 = vector.extract %get3A_83[0, 0] : f32 from vector<1x1xf32>
      %add3A_85 = vector.broadcast %get3A_84 : f32 to vector<4096xf32>
      %add3A_86 = arith.addf %add3A_80, %add3A_85 : vector<4096xf32>
      %swap3A_87 = arith.constant 0 : index
      %swap3A_88 = arith.constant 0 : index
      %swap3A_89 = vector.load %arg11[%swap3A_87, %swap3A_88] : memref<1x4096xf32, #tpu.memory_space<vmem>>, vector<1x4096xf32>
      %swap3A_90 = vector.shape_cast %swap3A_89 : vector<1x4096xf32> to vector<4096xf32>
      %swap3A_91 = vector.shape_cast %add3A_86 : vector<4096xf32> to vector<1x4096xf32>
      tpu.vector_store %arg11[%swap3A_87, %swap3A_88], %swap3A_91 {strides = array<i32>} : memref<1x4096xf32, #tpu.memory_space<vmem>>, vector<1x4096xf32>,
    } else {
    }
    return
  }
  func.func @transform_0(%arg0: i32) -> (i32, i32) {
    %c0_i32 = arith.constant 0 : i32
    %c0_i32_0 = arith.constant 0 : i32
    %c0_i32_1 = arith.constant 0 : i32
    return %c0_i32, %c0_i32_0 : i32, i32
  }
  func.func @transform_1(%arg0: i32) -> (i32, i32) {
    %c0_i32 = arith.constant 0 : i32
    %c0_i32_0 = arith.constant 0 : i32
    return %arg0, %c0_i32 : i32, i32
  }
  func.func @transform_2(%arg0: i32) -> (i32, i32, i32) {
    %c0_i32 = arith.constant 0 : i32
    %c0_i32_0 = arith.constant 0 : i32
    %c0_i32_1 = arith.constant 0 : i32
    return %arg0, %c0_i32, %c0_i32_0 : i32, i32, i32
  }
  func.func @transform_3(%arg0: i32) -> (i32, i32) {
    %c0_i32 = arith.constant 0 : i32
    %c0_i32_0 = arith.constant 0 : i32
    return %arg0, %c0_i32 : i32, i32
  }
  func.func @transform_4(%arg0: i32) -> (i32, i32) {
    %c0_i32 = arith.constant 0 : i32
    %c0_i32_0 = arith.constant 0 : i32
    %c0_i32_1 = arith.constant 0 : i32
    return %c0_i32, %c0_i32_0 : i32, i32
  }
  func.func @transform_5(%arg0: i32) -> (i32, i32) {
    %c0_i32 = arith.constant 0 : i32
    %c0_i32_0 = arith.constant 0 : i32
    %c0_i32_1 = arith.constant 0 : i32
    return %c0_i32, %c0_i32_0 : i32, i32
  }
  func.func @transform_6(%arg0: i32) -> (i32, i32) {
    %c0_i32 = arith.constant 0 : i32
    %c0_i32_0 = arith.constant 0 : i32
    %c0_i32_1 = arith.constant 0 : i32
    return %c0_i32, %c0_i32_0 : i32, i32
  }
  func.func @transform_7(%arg0: i32) -> (i32, i32) {
    %c0_i32 = arith.constant 0 : i32
    %c0_i32_0 = arith.constant 0 : i32
    %c0_i32_1 = arith.constant 0 : i32
    return %c0_i32, %c0_i32_0 : i32, i32
  }
  func.func @transform_8(%arg0: i32) -> (i32, i32) {
    %c0_i32 = arith.constant 0 : i32
    %c0_i32_0 = arith.constant 0 : i32
    %c0_i32_1 = arith.constant 0 : i32
    return %c0_i32, %c0_i32_0 : i32, i32
  }
  func.func @transform_9(%arg0: i32) -> (i32, i32) {
    %c0_i32 = arith.constant 0 : i32
    %c0_i32_0 = arith.constant 0 : i32
    return %arg0, %c0_i32 : i32, i32
  }
  func.func @transform_10(%arg0: i32) -> (i32, i32) {
    %c0_i32 = arith.constant 0 : i32
    %c0_i32_0 = arith.constant 0 : i32
    %c0_i32_1 = arith.constant 0 : i32
    return %c0_i32, %c0_i32_0 : i32, i32
  }
  func.func @transform_11(%arg0: i32) -> (i32, i32) {
    %c0_i32 = arith.constant 0 : i32
    %c0_i32_0 = arith.constant 0 : i32
    %c0_i32_1 = arith.constant 0 : i32
    return %c0_i32, %c0_i32_0 : i32, i32
  }
}

module attributes {stable_mosaic.version = 14 : i64} {
  func.func @_patch_body(%arg0: memref<4096xi32, #tpu.memory_space<smem>>, %arg1: memref<4096xi32, #tpu.memory_space<smem>>, %arg2: memref<4096x200xf32, #tpu.memory_space<vmem>>, %arg3: memref<117363x200xf32, #tpu.memory_space<any>>, %arg4: memref<117363x200xf32, #tpu.memory_space<any>>, %arg5: memref<!tpu.dma_semaphore, #tpu.memory_space<semaphore_mem>>) attributes {dimension_semantics = [], scalar_prefetch = 0 : i64, scratch_operands = 1 : i64, tpu.core_type = #tpu.core_type<tc>} {
    %scan3A = arith.constant 0 : i32
    %scan3A_0 = arith.constant 4096 : i32
    %scan3A_1 = arith.addi %scan3A, %scan3A_0 : i32
    %scan3A_2 = arith.constant 16 : i32
    scf.for %scan3A_6 = %scan3A to %scan3A_1 step %scan3A_2  : i32 {
      %get3A = arith.index_cast %scan3A_6 : i32 to index
      %get3A_7 = memref.load %arg0[%get3A] : memref<4096xi32, #tpu.memory_space<smem>>
      %get3A_8 = arith.index_cast %scan3A_6 : i32 to index
      %get3A_9 = memref.load %arg1[%get3A_8] : memref<4096xi32, #tpu.memory_space<smem>>
      %dma_start3A = arith.constant 0 : i32
      %dma_start3A_10 = tpu.memref_slice %arg4[%get3A_7, %dma_start3A] : memref<117363x200xf32, #tpu.memory_space<any>> -> memref<1x200xf32, #tpu.memory_space<any>>
      %dma_start3A_11 = arith.constant 0 : i32
      %dma_start3A_12 = tpu.memref_slice %arg2[%get3A_9, %dma_start3A_11] : memref<4096x200xf32, #tpu.memory_space<vmem>> -> memref<1x200xf32, #tpu.memory_space<vmem>>
      tpu.enqueue_dma source(%dma_start3A_12 : memref<1x200xf32, #tpu.memory_space<vmem>>) target(%dma_start3A_10 : memref<1x200xf32, #tpu.memory_space<any>>) target_semaphore(%arg5 : memref<!tpu.dma_semaphore, #tpu.memory_space<semaphore_mem>>)
      %scan3A_13 = arith.constant 1 : i32
      %scan3A_14 = arith.addi %scan3A_6, %scan3A_13 : i32
      %get3A_15 = arith.index_cast %scan3A_14 : i32 to index
      %get3A_16 = memref.load %arg0[%get3A_15] : memref<4096xi32, #tpu.memory_space<smem>>
      %get3A_17 = arith.index_cast %scan3A_14 : i32 to index
      %get3A_18 = memref.load %arg1[%get3A_17] : memref<4096xi32, #tpu.memory_space<smem>>
      %dma_start3A_19 = arith.constant 0 : i32
      %dma_start3A_20 = tpu.memref_slice %arg4[%get3A_16, %dma_start3A_19] : memref<117363x200xf32, #tpu.memory_space<any>> -> memref<1x200xf32, #tpu.memory_space<any>>
      %dma_start3A_21 = arith.constant 0 : i32
      %dma_start3A_22 = tpu.memref_slice %arg2[%get3A_18, %dma_start3A_21] : memref<4096x200xf32, #tpu.memory_space<vmem>> -> memref<1x200xf32, #tpu.memory_space<vmem>>
      tpu.enqueue_dma source(%dma_start3A_22 : memref<1x200xf32, #tpu.memory_space<vmem>>) target(%dma_start3A_20 : memref<1x200xf32, #tpu.memory_space<any>>) target_semaphore(%arg5 : memref<!tpu.dma_semaphore, #tpu.memory_space<semaphore_mem>>)
      %scan3A_23 = arith.constant 2 : i32
      %scan3A_24 = arith.addi %scan3A_6, %scan3A_23 : i32
      %get3A_25 = arith.index_cast %scan3A_24 : i32 to index
      %get3A_26 = memref.load %arg0[%get3A_25] : memref<4096xi32, #tpu.memory_space<smem>>
      %get3A_27 = arith.index_cast %scan3A_24 : i32 to index
      %get3A_28 = memref.load %arg1[%get3A_27] : memref<4096xi32, #tpu.memory_space<smem>>
      %dma_start3A_29 = arith.constant 0 : i32
      %dma_start3A_30 = tpu.memref_slice %arg4[%get3A_26, %dma_start3A_29] : memref<117363x200xf32, #tpu.memory_space<any>> -> memref<1x200xf32, #tpu.memory_space<any>>
      %dma_start3A_31 = arith.constant 0 : i32
      %dma_start3A_32 = tpu.memref_slice %arg2[%get3A_28, %dma_start3A_31] : memref<4096x200xf32, #tpu.memory_space<vmem>> -> memref<1x200xf32, #tpu.memory_space<vmem>>
      tpu.enqueue_dma source(%dma_start3A_32 : memref<1x200xf32, #tpu.memory_space<vmem>>) target(%dma_start3A_30 : memref<1x200xf32, #tpu.memory_space<any>>) target_semaphore(%arg5 : memref<!tpu.dma_semaphore, #tpu.memory_space<semaphore_mem>>)
      %scan3A_33 = arith.constant 3 : i32
      %scan3A_34 = arith.addi %scan3A_6, %scan3A_33 : i32
      %get3A_35 = arith.index_cast %scan3A_34 : i32 to index
      %get3A_36 = memref.load %arg0[%get3A_35] : memref<4096xi32, #tpu.memory_space<smem>>
      %get3A_37 = arith.index_cast %scan3A_34 : i32 to index
      %get3A_38 = memref.load %arg1[%get3A_37] : memref<4096xi32, #tpu.memory_space<smem>>
      %dma_start3A_39 = arith.constant 0 : i32
      %dma_start3A_40 = tpu.memref_slice %arg4[%get3A_36, %dma_start3A_39] : memref<117363x200xf32, #tpu.memory_space<any>> -> memref<1x200xf32, #tpu.memory_space<any>>
      %dma_start3A_41 = arith.constant 0 : i32
      %dma_start3A_42 = tpu.memref_slice %arg2[%get3A_38, %dma_start3A_41] : memref<4096x200xf32, #tpu.memory_space<vmem>> -> memref<1x200xf32, #tpu.memory_space<vmem>>
      tpu.enqueue_dma source(%dma_start3A_42 : memref<1x200xf32, #tpu.memory_space<vmem>>) target(%dma_start3A_40 : memref<1x200xf32, #tpu.memory_space<any>>) target_semaphore(%arg5 : memref<!tpu.dma_semaphore, #tpu.memory_space<semaphore_mem>>)
      %scan3A_43 = arith.constant 4 : i32
      %scan3A_44 = arith.addi %scan3A_6, %scan3A_43 : i32
      %get3A_45 = arith.index_cast %scan3A_44 : i32 to index
      %get3A_46 = memref.load %arg0[%get3A_45] : memref<4096xi32, #tpu.memory_space<smem>>
      %get3A_47 = arith.index_cast %scan3A_44 : i32 to index
      %get3A_48 = memref.load %arg1[%get3A_47] : memref<4096xi32, #tpu.memory_space<smem>>
      %dma_start3A_49 = arith.constant 0 : i32
      %dma_start3A_50 = tpu.memref_slice %arg4[%get3A_46, %dma_start3A_49] : memref<117363x200xf32, #tpu.memory_space<any>> -> memref<1x200xf32, #tpu.memory_space<any>>
      %dma_start3A_51 = arith.constant 0 : i32
      %dma_start3A_52 = tpu.memref_slice %arg2[%get3A_48, %dma_start3A_51] : memref<4096x200xf32, #tpu.memory_space<vmem>> -> memref<1x200xf32, #tpu.memory_space<vmem>>
      tpu.enqueue_dma source(%dma_start3A_52 : memref<1x200xf32, #tpu.memory_space<vmem>>) target(%dma_start3A_50 : memref<1x200xf32, #tpu.memory_space<any>>) target_semaphore(%arg5 : memref<!tpu.dma_semaphore, #tpu.memory_space<semaphore_mem>>)
      %scan3A_53 = arith.constant 5 : i32
      %scan3A_54 = arith.addi %scan3A_6, %scan3A_53 : i32
      %get3A_55 = arith.index_cast %scan3A_54 : i32 to index
      %get3A_56 = memref.load %arg0[%get3A_55] : memref<4096xi32, #tpu.memory_space<smem>>
      %get3A_57 = arith.index_cast %scan3A_54 : i32 to index
      %get3A_58 = memref.load %arg1[%get3A_57] : memref<4096xi32, #tpu.memory_space<smem>>
      %dma_start3A_59 = arith.constant 0 : i32
      %dma_start3A_60 = tpu.memref_slice %arg4[%get3A_56, %dma_start3A_59] : memref<117363x200xf32, #tpu.memory_space<any>> -> memref<1x200xf32, #tpu.memory_space<any>>
      %dma_start3A_61 = arith.constant 0 : i32
      %dma_start3A_62 = tpu.memref_slice %arg2[%get3A_58, %dma_start3A_61] : memref<4096x200xf32, #tpu.memory_space<vmem>> -> memref<1x200xf32, #tpu.memory_space<vmem>>
      tpu.enqueue_dma source(%dma_start3A_62 : memref<1x200xf32, #tpu.memory_space<vmem>>) target(%dma_start3A_60 : memref<1x200xf32, #tpu.memory_space<any>>) target_semaphore(%arg5 : memref<!tpu.dma_semaphore, #tpu.memory_space<semaphore_mem>>)
      %scan3A_63 = arith.constant 6 : i32
      %scan3A_64 = arith.addi %scan3A_6, %scan3A_63 : i32
      %get3A_65 = arith.index_cast %scan3A_64 : i32 to index
      %get3A_66 = memref.load %arg0[%get3A_65] : memref<4096xi32, #tpu.memory_space<smem>>
      %get3A_67 = arith.index_cast %scan3A_64 : i32 to index
      %get3A_68 = memref.load %arg1[%get3A_67] : memref<4096xi32, #tpu.memory_space<smem>>
      %dma_start3A_69 = arith.constant 0 : i32
      %dma_start3A_70 = tpu.memref_slice %arg4[%get3A_66, %dma_start3A_69] : memref<117363x200xf32, #tpu.memory_space<any>> -> memref<1x200xf32, #tpu.memory_space<any>>
      %dma_start3A_71 = arith.constant 0 : i32
      %dma_start3A_72 = tpu.memref_slice %arg2[%get3A_68, %dma_start3A_71] : memref<4096x200xf32, #tpu.memory_space<vmem>> -> memref<1x200xf32, #tpu.memory_space<vmem>>
      tpu.enqueue_dma source(%dma_start3A_72 : memref<1x200xf32, #tpu.memory_space<vmem>>) target(%dma_start3A_70 : memref<1x200xf32, #tpu.memory_space<any>>) target_semaphore(%arg5 : memref<!tpu.dma_semaphore, #tpu.memory_space<semaphore_mem>>)
      %scan3A_73 = arith.constant 7 : i32
      %scan3A_74 = arith.addi %scan3A_6, %scan3A_73 : i32
      %get3A_75 = arith.index_cast %scan3A_74 : i32 to index
      %get3A_76 = memref.load %arg0[%get3A_75] : memref<4096xi32, #tpu.memory_space<smem>>
      %get3A_77 = arith.index_cast %scan3A_74 : i32 to index
      %get3A_78 = memref.load %arg1[%get3A_77] : memref<4096xi32, #tpu.memory_space<smem>>
      %dma_start3A_79 = arith.constant 0 : i32
      %dma_start3A_80 = tpu.memref_slice %arg4[%get3A_76, %dma_start3A_79] : memref<117363x200xf32, #tpu.memory_space<any>> -> memref<1x200xf32, #tpu.memory_space<any>>
      %dma_start3A_81 = arith.constant 0 : i32
      %dma_start3A_82 = tpu.memref_slice %arg2[%get3A_78, %dma_start3A_81] : memref<4096x200xf32, #tpu.memory_space<vmem>> -> memref<1x200xf32, #tpu.memory_space<vmem>>
      tpu.enqueue_dma source(%dma_start3A_82 : memref<1x200xf32, #tpu.memory_space<vmem>>) target(%dma_start3A_80 : memref<1x200xf32, #tpu.memory_space<any>>) target_semaphore(%arg5 : memref<!tpu.dma_semaphore, #tpu.memory_space<semaphore_mem>>)
      %scan3A_83 = arith.constant 8 : i32
      %scan3A_84 = arith.addi %scan3A_6, %scan3A_83 : i32
      %get3A_85 = arith.index_cast %scan3A_84 : i32 to index
      %get3A_86 = memref.load %arg0[%get3A_85] : memref<4096xi32, #tpu.memory_space<smem>>
      %get3A_87 = arith.index_cast %scan3A_84 : i32 to index
      %get3A_88 = memref.load %arg1[%get3A_87] : memref<4096xi32, #tpu.memory_space<smem>>
      %dma_start3A_89 = arith.constant 0 : i32
      %dma_start3A_90 = tpu.memref_slice %arg4[%get3A_86, %dma_start3A_89] : memref<117363x200xf32, #tpu.memory_space<any>> -> memref<1x200xf32, #tpu.memory_space<any>>
      %dma_start3A_91 = arith.constant 0 : i32
      %dma_start3A_92 = tpu.memref_slice %arg2[%get3A_88, %dma_start3A_91] : memref<4096x200xf32, #tpu.memory_space<vmem>> -> memref<1x200xf32, #tpu.memory_space<vmem>>
      tpu.enqueue_dma source(%dma_start3A_92 : memref<1x200xf32, #tpu.memory_space<vmem>>) target(%dma_start3A_90 : memref<1x200xf32, #tpu.memory_space<any>>) target_semaphore(%arg5 : memref<!tpu.dma_semaphore, #tpu.memory_space<semaphore_mem>>)
      %scan3A_93 = arith.constant 9 : i32
      %scan3A_94 = arith.addi %scan3A_6, %scan3A_93 : i32
      %get3A_95 = arith.index_cast %scan3A_94 : i32 to index
      %get3A_96 = memref.load %arg0[%get3A_95] : memref<4096xi32, #tpu.memory_space<smem>>
      %get3A_97 = arith.index_cast %scan3A_94 : i32 to index
      %get3A_98 = memref.load %arg1[%get3A_97] : memref<4096xi32, #tpu.memory_space<smem>>
      %dma_start3A_99 = arith.constant 0 : i32
      %dma_start3A_100 = tpu.memref_slice %arg4[%get3A_96, %dma_start3A_99] : memref<117363x200xf32, #tpu.memory_space<any>> -> memref<1x200xf32, #tpu.memory_space<any>>
      %dma_start3A_101 = arith.constant 0 : i32
      %dma_start3A_102 = tpu.memref_slice %arg2[%get3A_98, %dma_start3A_101] : memref<4096x200xf32, #tpu.memory_space<vmem>> -> memref<1x200xf32, #tpu.memory_space<vmem>>
      tpu.enqueue_dma source(%dma_start3A_102 : memref<1x200xf32, #tpu.memory_space<vmem>>) target(%dma_start3A_100 : memref<1x200xf32, #tpu.memory_space<any>>) target_semaphore(%arg5 : memref<!tpu.dma_semaphore, #tpu.memory_space<semaphore_mem>>)
      %scan3A_103 = arith.constant 10 : i32
      %scan3A_104 = arith.addi %scan3A_6, %scan3A_103 : i32
      %get3A_105 = arith.index_cast %scan3A_104 : i32 to index
      %get3A_106 = memref.load %arg0[%get3A_105] : memref<4096xi32, #tpu.memory_space<smem>>
      %get3A_107 = arith.index_cast %scan3A_104 : i32 to index
      %get3A_108 = memref.load %arg1[%get3A_107] : memref<4096xi32, #tpu.memory_space<smem>>
      %dma_start3A_109 = arith.constant 0 : i32
      %dma_start3A_110 = tpu.memref_slice %arg4[%get3A_106, %dma_start3A_109] : memref<117363x200xf32, #tpu.memory_space<any>> -> memref<1x200xf32, #tpu.memory_space<any>>
      %dma_start3A_111 = arith.constant 0 : i32
      %dma_start3A_112 = tpu.memref_slice %arg2[%get3A_108, %dma_start3A_111] : memref<4096x200xf32, #tpu.memory_space<vmem>> -> memref<1x200xf32, #tpu.memory_space<vmem>>
      tpu.enqueue_dma source(%dma_start3A_112 : memref<1x200xf32, #tpu.memory_space<vmem>>) target(%dma_start3A_110 : memref<1x200xf32, #tpu.memory_space<any>>) target_semaphore(%arg5 : memref<!tpu.dma_semaphore, #tpu.memory_space<semaphore_mem>>)
      %scan3A_113 = arith.constant 11 : i32
      %scan3A_114 = arith.addi %scan3A_6, %scan3A_113 : i32
      %get3A_115 = arith.index_cast %scan3A_114 : i32 to index
      %get3A_116 = memref.load %arg0[%get3A_115] : memref<4096xi32, #tpu.memory_space<smem>>
      %get3A_117 = arith.index_cast %scan3A_114 : i32 to index
      %get3A_118 = memref.load %arg1[%get3A_117] : memref<4096xi32, #tpu.memory_space<smem>>
      %dma_start3A_119 = arith.constant 0 : i32
      %dma_start3A_120 = tpu.memref_slice %arg4[%get3A_116, %dma_start3A_119] : memref<117363x200xf32, #tpu.memory_space<any>> -> memref<1x200xf32, #tpu.memory_space<any>>
      %dma_start3A_121 = arith.constant 0 : i32
      %dma_start3A_122 = tpu.memref_slice %arg2[%get3A_118, %dma_start3A_121] : memref<4096x200xf32, #tpu.memory_space<vmem>> -> memref<1x200xf32, #tpu.memory_space<vmem>>
      tpu.enqueue_dma source(%dma_start3A_122 : memref<1x200xf32, #tpu.memory_space<vmem>>) target(%dma_start3A_120 : memref<1x200xf32, #tpu.memory_space<any>>) target_semaphore(%arg5 : memref<!tpu.dma_semaphore, #tpu.memory_space<semaphore_mem>>)
      %scan3A_123 = arith.constant 12 : i32
      %scan3A_124 = arith.addi %scan3A_6, %scan3A_123 : i32
      %get3A_125 = arith.index_cast %scan3A_124 : i32 to index
      %get3A_126 = memref.load %arg0[%get3A_125] : memref<4096xi32, #tpu.memory_space<smem>>
      %get3A_127 = arith.index_cast %scan3A_124 : i32 to index
      %get3A_128 = memref.load %arg1[%get3A_127] : memref<4096xi32, #tpu.memory_space<smem>>
      %dma_start3A_129 = arith.constant 0 : i32
      %dma_start3A_130 = tpu.memref_slice %arg4[%get3A_126, %dma_start3A_129] : memref<117363x200xf32, #tpu.memory_space<any>> -> memref<1x200xf32, #tpu.memory_space<any>>
      %dma_start3A_131 = arith.constant 0 : i32
      %dma_start3A_132 = tpu.memref_slice %arg2[%get3A_128, %dma_start3A_131] : memref<4096x200xf32, #tpu.memory_space<vmem>> -> memref<1x200xf32, #tpu.memory_space<vmem>>
      tpu.enqueue_dma source(%dma_start3A_132 : memref<1x200xf32, #tpu.memory_space<vmem>>) target(%dma_start3A_130 : memref<1x200xf32, #tpu.memory_space<any>>) target_semaphore(%arg5 : memref<!tpu.dma_semaphore, #tpu.memory_space<semaphore_mem>>)
      %scan3A_133 = arith.constant 13 : i32
      %scan3A_134 = arith.addi %scan3A_6, %scan3A_133 : i32
      %get3A_135 = arith.index_cast %scan3A_134 : i32 to index
      %get3A_136 = memref.load %arg0[%get3A_135] : memref<4096xi32, #tpu.memory_space<smem>>
      %get3A_137 = arith.index_cast %scan3A_134 : i32 to index
      %get3A_138 = memref.load %arg1[%get3A_137] : memref<4096xi32, #tpu.memory_space<smem>>
      %dma_start3A_139 = arith.constant 0 : i32
      %dma_start3A_140 = tpu.memref_slice %arg4[%get3A_136, %dma_start3A_139] : memref<117363x200xf32, #tpu.memory_space<any>> -> memref<1x200xf32, #tpu.memory_space<any>>
      %dma_start3A_141 = arith.constant 0 : i32
      %dma_start3A_142 = tpu.memref_slice %arg2[%get3A_138, %dma_start3A_141] : memref<4096x200xf32, #tpu.memory_space<vmem>> -> memref<1x200xf32, #tpu.memory_space<vmem>>
      tpu.enqueue_dma source(%dma_start3A_142 : memref<1x200xf32, #tpu.memory_space<vmem>>) target(%dma_start3A_140 : memref<1x200xf32, #tpu.memory_space<any>>) target_semaphore(%arg5 : memref<!tpu.dma_semaphore, #tpu.memory_space<semaphore_mem>>)
      %scan3A_143 = arith.constant 14 : i32
      %scan3A_144 = arith.addi %scan3A_6, %scan3A_143 : i32
      %get3A_145 = arith.index_cast %scan3A_144 : i32 to index
      %get3A_146 = memref.load %arg0[%get3A_145] : memref<4096xi32, #tpu.memory_space<smem>>
      %get3A_147 = arith.index_cast %scan3A_144 : i32 to index
      %get3A_148 = memref.load %arg1[%get3A_147] : memref<4096xi32, #tpu.memory_space<smem>>
      %dma_start3A_149 = arith.constant 0 : i32
      %dma_start3A_150 = tpu.memref_slice %arg4[%get3A_146, %dma_start3A_149] : memref<117363x200xf32, #tpu.memory_space<any>> -> memref<1x200xf32, #tpu.memory_space<any>>
      %dma_start3A_151 = arith.constant 0 : i32
      %dma_start3A_152 = tpu.memref_slice %arg2[%get3A_148, %dma_start3A_151] : memref<4096x200xf32, #tpu.memory_space<vmem>> -> memref<1x200xf32, #tpu.memory_space<vmem>>
      tpu.enqueue_dma source(%dma_start3A_152 : memref<1x200xf32, #tpu.memory_space<vmem>>) target(%dma_start3A_150 : memref<1x200xf32, #tpu.memory_space<any>>) target_semaphore(%arg5 : memref<!tpu.dma_semaphore, #tpu.memory_space<semaphore_mem>>)
      %scan3A_153 = arith.constant 15 : i32
      %scan3A_154 = arith.addi %scan3A_6, %scan3A_153 : i32
      %get3A_155 = arith.index_cast %scan3A_154 : i32 to index
      %get3A_156 = memref.load %arg0[%get3A_155] : memref<4096xi32, #tpu.memory_space<smem>>
      %get3A_157 = arith.index_cast %scan3A_154 : i32 to index
      %get3A_158 = memref.load %arg1[%get3A_157] : memref<4096xi32, #tpu.memory_space<smem>>
      %dma_start3A_159 = arith.constant 0 : i32
      %dma_start3A_160 = tpu.memref_slice %arg4[%get3A_156, %dma_start3A_159] : memref<117363x200xf32, #tpu.memory_space<any>> -> memref<1x200xf32, #tpu.memory_space<any>>
      %dma_start3A_161 = arith.constant 0 : i32
      %dma_start3A_162 = tpu.memref_slice %arg2[%get3A_158, %dma_start3A_161] : memref<4096x200xf32, #tpu.memory_space<vmem>> -> memref<1x200xf32, #tpu.memory_space<vmem>>
      tpu.enqueue_dma source(%dma_start3A_162 : memref<1x200xf32, #tpu.memory_space<vmem>>) target(%dma_start3A_160 : memref<1x200xf32, #tpu.memory_space<any>>) target_semaphore(%arg5 : memref<!tpu.dma_semaphore, #tpu.memory_space<semaphore_mem>>)
    }
    %scan3A_3 = arith.constant 4096 : i32
    %dma_wait3A = arith.constant 0 : i32
    %dma_wait3A_4 = arith.constant 0 : i32
    %dma_wait3A_5 = tpu.memref_slice %arg4[%dma_wait3A, %dma_wait3A_4] : memref<117363x200xf32, #tpu.memory_space<any>> -> memref<4096x200xf32, #tpu.memory_space<any>>
    tpu.wait_dma2 semaphore(%arg5 : memref<!tpu.dma_semaphore, #tpu.memory_space<semaphore_mem>>) src(%arg2 : memref<4096x200xf32, #tpu.memory_space<vmem>>) dst(%dma_wait3A_5 : memref<4096x200xf32, #tpu.memory_space<any>>)
    return
  }
}

</mosaic_0001>

<sc_bundles>
// kernel: kernel.5.cloned.1.call-start
scs
__scs_entry_jumppad:
0x0: {  	(pc) =	sbr.rel $0x88, $3  }
0x1: {  	(tag) =	ssettag $0x0;
	lr =	simm.s32 $0x1  }
0x2: {  	[smem:$0x3F98] =	sst lr;
	_ =	strace $0xD0000000  }
0x3: {  	_ = 	snop  }
0x4: {  	_ = 	snop  }
0x5: {  	_ = 	snop  }
0x6: {  	_ = 	snop  }
0x7: {  	_ = 	snop  }
__scs_overlays_trampoline_lowered:
0x8: {  	[smem:$0x3FA7] =	sst s0  }
0x9: {  	[smem:$0x3FA8] =	sst s1  }
0xa: {  	[smem:$0x3FA9] =	sst s2  }
0xb: {  	[smem:$0x3FAA] =	sst s3  }
0xc: {  	[smem:$0x3FAB] =	sst s4  }
0xd: {  	[smem:$0x3FAC] =	sst s5  }
0xe: {  	[smem:$0x3FAD] =	sst s6  }
0xf: {  	[smem:$0x3FAE] =	sst s7  }
0x10: {  	[smem:$0x3FAF] =	sst s8  }
0x11: {  	[smem:$0x3FB0] =	sst s9;
	s0 =	simm.s32 @!p0 $0x0  }
0x12: {  	s1 =	sld [smem:$0x3F96];
	s0 =	simm.s32 @p0 $0x1  }
0x13: {  	[smem:$0x3FB1] =	sst s0;
	s0 =	simm.s32 @!p1 $0x0  }
0x14: {  	s2 =	sld [smem:$0x3F95];
	s0 =	simm.s32 @p1 $0x1  }
0x15: {  	[smem:$0x3FB2] =	sst s0;
	s0 =	simm.s32 @!p2 $0x0  }
0x16: {  	s3 =	sld [smem:$0x3FDB];
	s0 =	simm.s32 @p2 $0x1  }
0x17: {  	s4 =	simm.s32 $0x1BF5;
	[smem:$0x3FB4] =	sst s0  }
0x18: {  	s0 =	sld [smem:$0x3F97];
	_ =	swait.ge [sflag:s4], $0x0  }
0x19: {  	s7 =	sld [smem:$0x3F98]  }
0x1a: {  	s8 =	sadd.s32 $0xFFFFE003, lr  }
0x1b: {  	s9 =	sadd.s32 $0xFFFFFEF7, lr;
	s5 =	simm.s32 $0xFFFFFFFF;
	p2 =	slt.u32 s8, $0xFFFFF086  }
0x1c: {  	p1 =	slt.u32 s9, $0xF7A;
	s5 =	simm.s32 @!p2 $0x0  }
0x1d: {  	s5 =	simm.s32 @p1 $0x1;
	p0 =	seq.s32 s7, s2  }
0x1e: {  	s7 =	smul.u32 @!p0 $0xF7A, s2;
	p2 =	seq.s32 @!p0 s5, $0x0  }
0x1f: {  	s9 =	smul.u32 $0xF7A, s1;
	s8 =	simm.s32 @!p0 $0x1BF5;
	p2 =	por !p2, p0  }
0x20: {  	[sflag:s8] =	ssyncset.s32 @!p0 $0xFFFFF086;
	s6 =	sadd.s32 @!p0 s3, s7;
	s7 =	simm.s32 @!p0 $0x108  }
0x21: {  	s3 =	sadd.s32 s3, s9;
	s6 =	sadd.s32 @!p0 $0x88, s6;
	s7 =	simm.s32 @p2 $0x1082  }
0x22: {  	[simem:s7], [sflag:s8] =	dma.local @!p0 [hbm:s6], $0xF7A  }
0x23: {  	s9 =	sor.u32 $0xD0000000, s2;
	s6 =	simm.s32 $0x108;
	_ =	swait.ge @!p0 [sflag:s8], $0x0  }
0x24: {  	s3 =	sadd.s32 $0x88, s3;
	s6 =	simm.s32 @!p1 $0x1082;
	[sflag:s4] =	ssyncset.s32 $0xFFFFF086  }
0x25: {  	[simem:s6], [sflag:s4] =	dma.local [hbm:s3], $0xF7A  }
0x26: {  	[smem:$0x3F98] =	sst s1;
	(tag) =	ssettag s2;
	_ =	strace s9  }
0x27: {  	s1 =	sld [smem:$0x3FA8]  }
0x28: {  	s2 =	sld [smem:$0x3FA9]  }
0x29: {  	s4 =	sld [smem:$0x3FAB]  }
0x2a: {  	p0 =	seq.s32 s5, $0x0;
	s5 =	sld [smem:$0x3FAC]  }
0x2b: {  	s6 =	sld [smem:$0x3FAD]  }
0x2c: {  	s7 =	sld [smem:$0x3FAE]  }
0x2d: {  	s3 =	simm.s32 $0x108;
	s8 =	sld [smem:$0x3FAF]  }
0x2e: {  	s3 =	simm.s32 @!p0 $0x1082;
	s9 =	sld [smem:$0x3FB0]  }
0x2f: {  	lr =	sadd.s32 s0, s3;
	s0 =	sld [smem:$0x3FA7]  }
0x30: {  	s3 =	sld [smem:$0x3FAA]  }
0x31: {  	[smem:$0x3FB3] =	sst s10  }
0x32: {  	s10 =	sld [smem:$0x3FB1];
	_ =	sdelay $0x3  }
0x33: {  	p0 =	seq.s32 s10, $0x1;
	s10 =	sld [smem:$0x3FB3];
	_ =	sdelay $0x3  }
0x34: {  	[smem:$0x3FB3] =	sst s10  }
0x35: {  	s10 =	sld [smem:$0x3FB2];
	_ =	sdelay $0x3  }
0x36: {  	p1 =	seq.s32 s10, $0x1;
	s10 =	sld [smem:$0x3FB3];
	_ =	sdelay $0x3  }
0x37: {  	[smem:$0x3FB3] =	sst s10  }
0x38: {  	s10 =	sld [smem:$0x3FB4]  }
0x39: {  	_ = 	snop;
	(pc) =	sbr.ind lr, $3  }
0x3a: {  	_ = 	snop  }
0x3b: {  	_ = 	snop  }
0x3c: {  	p2 =	seq.s32 s10, $0x1;
	s10 =	sld [smem:$0x3FB3]  }
0x3d: {  	_ =	shalt  }
0x3e: {  	_ =	shalt  }
0x3f: {  	_ =	shalt  }
0x40: {  	_ =	shalt  }
0x41: {  	_ =	shalt  }
0x42: {  	_ =	shalt  }
0x43: {  	_ =	shalt  }
0x44: {  	_ =	shalt  }
0x45: {  	_ =	shalt  }
0x46: {  	_ =	shalt  }
0x47: {  	_ =	shalt  }
0x48: {  	_ =	shalt  }
0x49: {  	_ =	shalt  }
0x4a: {  	_ =	shalt  }
0x4b: {  	_ =	shalt  }
0x4c: {  	_ =	shalt  }
0x4d: {  	_ =	shalt  }
0x4e: {  	_ =	shalt  }
0x4f: {  	_ =	shalt  }
0x50: {  	_ =	shalt  }
0x51: {  	_ =	shalt  }
0x52: {  	_ =	shalt  }
0x53: {  	_ =	shalt  }
0x54: {  	_ =	shalt  }
0x55: {  	_ =	shalt  }
0x56: {  	_ =	shalt  }
0x57: {  	_ =	shalt  }
0x58: {  	_ =	shalt  }
0x59: {  	_ =	shalt  }
0x5a: {  	_ =	shalt  }
0x5b: {  	_ =	shalt  }
0x5c: {  	_ =	shalt  }
0x5d: {  	_ =	shalt  }
0x5e: {  	_ =	shalt  }
0x5f: {  	_ =	shalt  }
0x60: {  	_ =	shalt  }
0x61: {  	_ =	shalt  }
0x62: {  	_ =	shalt  }
0x63: {  	_ =	shalt  }
0x64: {  	_ =	shalt  }
0x65: {  	_ =	shalt  }
0x66: {  	_ =	shalt  }
0x67: {  	_ =	shalt  }
0x68: {  	_ =	shalt  }
0x69: {  	_ =	shalt  }
0x6a: {  	_ =	shalt  }
0x6b: {  	_ =	shalt  }
0x6c: {  	_ =	shalt  }
0x6d: {  	_ =	shalt  }
0x6e: {  	_ =	shalt  }
0x6f: {  	_ =	shalt  }
0x70: {  	_ =	shalt  }
0x71: {  	_ =	shalt  }
0x72: {  	_ =	shalt  }
0x73: {  	_ =	shalt  }
0x74: {  	_ =	shalt  }
0x75: {  	_ =	shalt  }
0x76: {  	_ =	shalt  }
0x77: {  	_ =	shalt  }
0x78: {  	_ =	shalt  }
0x79: {  	_ =	shalt  }
0x7a: {  	_ =	shalt  }
0x7b: {  	_ =	shalt  }
0x7c: {  	_ =	shalt  }
0x7d: {  	_ =	shalt  }
0x7e: {  	_ =	shalt  }
0x7f: {  	_ =	shalt  }
0x80: {  	_ =	shalt  }
0x81: {  	_ =	shalt  }
0x82: {  	_ =	shalt  }
0x83: {  	_ =	shalt  }
0x84: {  	_ =	shalt  }
0x85: {  	_ =	shalt  }
0x86: {  	_ =	shalt  }
0x87: {  	_ =	shalt  }
.Lfunc_end0:
.L_simem_size_0:
called_computation_lowered:
.L_overlay_start_0:
0x88: {  	s2 =	sld [smem:$0x3FD9]  }
0x89: {  	s3 =	sld [smem:$0x3FFE];
	_ =	sdelay $0x1  }
0x8a: {  	s1 =	srdreg.scid  }
0x8b: {  	s0 =	sand.u32 $0x1, s1  }
0x8c: {  	s17 =	sshll.u32 s0, $0xA;
	s2 =	sadd.s32 s3, s2  }
0x8d: {  	s2 =	sadd.s32 s2, s17  }
0x8e: {  	[smem:$0x3FBF] =	sst s2  }
0x8f: {  	_ = 	snop  }
0x90: {  	s2 =	sld [smem:$0x3FC1];
	(tm) =	ssettm $0x1  }
0x91: {  	s18 =	sld [smem:$0x3FFB];
	_ =	sdelay $0x3  }
0x92: {  	_ =	strace s18  }
0x93: {  	s3 =	sld [smem:$0x3FFC];
	_ =	sdelay $0x3  }
0x94: {  	_ =	strace s3  }
0x95: {  	s3 =	sld [smem:$0x3FFD];
	_ =	sdelay $0x3  }
0x96: {  	_ =	strace s3  }
0x97: {  	_ =	strace $0x8FFFFFFF  }
0x98: {  	s19 =	sld [smem:$0x3FDB];
	_ =	sdelay $0x1  }
0x99: {  	s4 =	simm.s32 $_scs_section_size  }
0x9a: {  	s5 =	simm.s32 $_size__tile_overlayer_lowered;
	s6 =	simm.s32 $_tile_overlayer_lowered  }
0x9b: {  	s22 =	simm.s32 $0x1BFF;
	s21 =	sshll.u32 s6, $0x1;
	s3 =	sadd.s32 s4, s19  }
0x9c: {  	s7 =	simm.s32 $0x0;
	s20 =	sshll.u32 s5, $0x1;
	s5 =	sadd.s32 s21, s3  }
0x9d: {  	[timem:s7], [sflag:s22] =	dma.local [hbm:s5], s20  }
0x9e: {  	_ =	swait.ge [sflag:s22], s20  }
0x9f: {  	s4 =	ssub.s32 $0x0, s20;
	[sflag:s22] =	ssyncset.done $0x0  }
0xa0: {  	[sflag:s22] =	ssyncadd.s32 s4;
	_ =	sdelay $0x1  }
0xa1: {  	s23 =	simm.s32 $0x1B8B  }
0xa2: {  	_ =	swait.ge [sflag:s23], $0x1  }
0xa3: {  	[sflag:s23] =	ssyncset.done $0x0  }
0xa4: {  	s25 =	simm.s32 $0x1B8E;
	s24 =	sld [smem:$0x3FFE];
	[sflag:s23] =	ssyncadd.s32 $0xFFFFFFFF  }
0xa5: {  	s26 =	simm.s32 $execute0_lowered;
	[smem:$0x3FD2] =	sst s25  }
0xa6: {  	s5 =	sshll.u32 s26, $0x1;
	_ =	strace $0x80000046;
	[dreg:$0x1] =	wrdreg $0xFFFFFFFF  }
0xa7: {  	s28 =	simm.s32 $_size_execute0_lowered;
	s3 =	sadd.s32 s3, s5;
	[dreg:$0x0] =	wrdreg $0x0  }
0xa8: {  	s5 =	sshll.u32 s28, $0x1;
	[dreg:$0x2] =	wrdreg s3  }
0xa9: {  	[dreg:$0x3] =	wrdreg s5  }
0xaa: {  	[dreg:$0x4] =	wrdreg $0xC0  }
0xab: {  	_ =	task [dreg:s7], $0x5FFFF  }
0xac: {  	[dreg:$0x1] =	wrdreg $0xFFFFFFFF  }
0xad: {  	[dreg:$0x0] =	wrdreg $0x60  }
0xae: {  	[dreg:$0x2] =	wrdreg s2  }
0xaf: {  	[dreg:$0x3] =	wrdreg s24  }
0xb0: {  	[dreg:$0x4] =	wrdreg $0x9  }
0xb1: {  	_ =	task.clear_ibuf [dreg:s7], $0x5FFFF;
	_ =	strace $0x90000046  }
0xb2: {  	s29 =	simm.s32 $0x9;
	_ =	strace $0x80000048  }
0xb3: {  	_ =	swait.ge [sflag:s29], $0x1  }
0xb4: {  	[sflag:s29] =	ssyncadd.s32 $0xFFFFFFFF  }
0xb5: {  	_ =	strace $0x90000048  }
0xb6: {  	_ =	sfence  }
0xb7: {  	s30 =	sld [smem:$0x0];
	_ =	sdelay $0x2  }
0xb8: {  	s31 =	sshll.u32 s1, $0xD;
	s1 =	sshrl.u32 s1, $0x2  }
0xb9: {  	s3 =	sand.u32 $0x4000, s31;
	s1 =	sadd.s32 s1, s30  }
0xba: {  	s0 =	sor.u32 s3, s0;
	s1 =	sshll.u32 s1, $0x11  }
0xbb: {  	s0 =	sor.u32 s1, s0  }
0xbc: {  	s0 =	sadd.s32 $0x8F2B, s0  }
0xbd: {  	[sflag:s0] =	ssyncadd.remote.s32 $0x1  }
0xbe: {  	_ =	sfence.sel $0xFFFF  }
0xbf: {  	[dreg:$0x0] =	wrdreg $0xFFFFFFFF;
	(pc) =	sbr.abs _section_cstart, $3  }
0xc0: {  	[dreg:$0x1] =	wrdreg $0xFFFFFFFF  }
0xc1: {  	_ =	task.clear_ibuf [dreg:s7], $0x2FFFF;
	_ =	strace $0x9FFFFFFF  }
0xc2: {  	(tm) =	ssettm $0x7FFFFFFF  }
0xc3: {  	_ =	shalt  }
tec
execute0_lowered:
.L_overlay_start_1:
0x0: {  	(tag) =	ssettag $0x1  }
0x1: {  	s1 =	srdreg.scid;
	s3 =	rddreg [dreg:$0x0]  }
0x2: {  	s0 =	stileid.u32;
	s8 =	rddreg [dreg:$0x1];
	s6 =	sand.u32 $0x1, s1  }
0x3: {  	s2 =	simm.s32 $0x0;
	s4 =	sshll.u32 s0, $0x8;
	s5 =	sshll.u32 s6, $0x7  }
0x4: {  	s7 =	simm.s32 $0x1;
	[smem:$0x7FF] =	sst s2;
	s9 =	sor.u32 s5, s4  }
0x5: {  	s1 =	rddreg [dreg:$0x2];
	_ =	strace $0x80000047;
	s4 =	sshrl.u32 s9, $0x3  }
0x6: {  	s10 =	ssub.s32 $0x2, s6;
	s4 =	sadd.s32 s3, s4;
	s3 =	simm.s32 $0x2  }
0x7: {  	[tilespmem:s2], [sflag:$0x2] =	stream.linear.gather [hbm4b:s4+s2], $0x80, $0x38;
	[tilespmem:$0x480] =	vst v63  }
0x8: {  	s6 =	simm.s32 $0x80;
	s11 =	sshrl.u32 s10, $0x1;
	_ =	swait.ge [sflag:s3], $0x80  }
0x9: {  	s5 =	sadd.s32 $0x2E00, s8;
	s31 =	ssub.s32 s10, s11;
	[sflag:s3] =	ssyncset.done $0x0  }
0xa: {  	s8 =	sadd.s32 s9, s8;
	s9 =	smax.u32 s31, $0x1;
	[sflag:s3] =	ssyncadd.s32 $0xFFFFFF80  }
0xb: {  	[tilespmem:s6], [sflag:$0x1] =	stream.indirect.gather [hbm4b:s5+s6], $0x8, s2, s6, $0xb8;
	[tilespmem:$0x480] =	vst v63  }
0xc: {  	p0 =	sne.s32 s9, $0x1;
	_ =	swait.ge [sflag:s7], $0x400  }
.Ltmp0:
0xd: {  	[sflag:s7] =	ssyncset.done $0x0;
	(pc) =	sbr.rel @!p0 .LBB2_2-.Ltmp0, $4  }
0xe: {  	s8 =	sadd.s32 $0x1FA00, s8;
	[sflag:s7] =	ssyncadd.s32 $0xFFFFFC00  }
0xf: {  	[hbm4b:s8+s2] =	stream.linear.scatter [tilespmem:s6], [sflag:$0x2], $0x400, $0x38;
	[tilespmem:$0x480] =	vst v63  }
0x10: {  	_ =	swait.ge [sflag:s3], $0x400  }
0x11: {  	s9 =	sadd.s32 $0xFFFFFFFF, s9;
	[sflag:s3] =	ssyncset.done $0x0  }
.LBB2_1:
0x12: {  	p0 =	sne.s32 s9, $0x1;
	s9 =	sadd.s32 $0xFFFFFFFF, s9;
	[sflag:s3] =	ssyncadd.s32 $0xFFFFFC00  }
0x13: {  	[tilespmem:s2], [sflag:$0x2] =	stream.linear.gather [hbm4b:s4+s2], $0x80, $0x38;
	[tilespmem:$0x480] =	vst v63  }
0x14: {  	_ =	swait.ge [sflag:s3], $0x80  }
0x15: {  	[sflag:s3] =	ssyncset.done $0x0  }
0x16: {  	[sflag:s3] =	ssyncadd.s32 $0xFFFFFF80  }
0x17: {  	[tilespmem:s6], [sflag:$0x1] =	stream.indirect.gather [hbm4b:s5+s6], $0x8, s2, s6, $0xb8;
	[tilespmem:$0x480] =	vst v63  }
0x18: {  	_ =	swait.ge [sflag:s7], $0x400  }
.Ltmp1:
0x19: {  	[sflag:s7] =	ssyncset.done $0x0;
	(pc) =	sbr.rel @p0 .LBB2_1-.Ltmp1, $4  }
0x1a: {  	[sflag:s7] =	ssyncadd.s32 $0xFFFFFC00  }
0x1b: {  	[hbm4b:s8+s2] =	stream.linear.scatter [tilespmem:s6], [sflag:$0x2], $0x400, $0x38;
	[tilespmem:$0x480] =	vst v63  }
0x1c: {  	_ =	swait.ge [sflag:s3], $0x400  }
0x1d: {  	[sflag:s3] =	ssyncset.done $0x0  }
.LBB2_2:
0x1e: {  	[sflag:s3] =	ssyncadd.s32 $0xFFFFFC00  }
0x1f: {  	_ =	sfence.sel $0x180000  }
0x20: {  	[bflag:$0x0] =	sbarrier.arrive $0xFFFF  }
0x21: {  	p0 =	sne.s32 s0, $0x0;
	_ =	strace $0x90000047  }
0x22: {  	s0 =	sadd.s32 @!p0 $0x100000, s1;
	[bflag:$0x2] =	sbarrier.arrive $0xFFFF  }
0x23: {  	[sflag:s0] =	ssyncadd.tile.s32 @!p0 $0x1;
	_ =	shalt  }
.Lfunc_end2:
_tile_overlayer_lowered:
.L_overlay_start_2:
0x24: {  	(tag) =	ssettag $0x2  }
0x25: {  	s0 =	rddreg [dreg:$0x0];
	s2 =	stileid.u32  }
0x26: {  	s1 =	rddreg [dreg:$0x1];
	p0 =	sne.s32 s2, $0x0  }
0x27: {  	s3 =	rddreg [dreg:$0x2];
	[bflag:$0x3] =	sbarrier.arrive $0xFFFF;
	s2 =	simm.s32 @!p0 $0x1C02  }
0x28: {  	[timem:s3], [sflag:s2] =	dma.local @!p0 [hbm:s0], s1  }
0x29: {  	s0 =	simm.s32 @!p0 $0x2  }
0x2a: {  	_ =	swait.ge @!p0 [sflag:s0], s1  }
0x2b: {  	s1 =	ssub.s32 @!p0 $0x0, s1;
	[sflag:s0] =	ssyncset.done @!p0 $0x0  }
0x2c: {  	[sflag:s0] =	ssyncadd.s32 @!p0 s1  }
0x2d: {  	[bflag:$0x3] =	sbarrier.arrive $0xFFFF  }
0x2e: {  	_ =	shalt  }

</sc_bundles>
